<compile_context>
chip_gen: v7x
topology: tpu7x:2x2x1
jax: 0.10.2.dev20260603
libtpu: 0.0.44.dev20260713+nightly
codegen_flags: <defaults>
</compile_context>

<pallas_src>
import jax
import jax.numpy as jnp
import numpy as np
from jax.experimental import pallas as pl
from jax.experimental.pallas import tpu as pltpu

B = 2
C = 256
A = 9
H = W = 50
IMG = 800
PRE_NMS = 1000
POST_NMS = 1000
NMS_THRESH = 0.7
MIN_SIZE = 0.001

NT = 2560


def _score_body(t_ref, wc_ref, bias_ref, out_ref):
    t = t_ref[0].astype(jnp.bfloat16)
    out = jnp.dot(t, wc_ref[...], preferred_element_type=jnp.float32)
    out_ref[0] = out + bias_ref[0, 0:1, :48]


def _conv_stage(feature, W1, b1, Wc, bc, Wb, bb):
    t = jax.nn.relu(
        jax.lax.conv_general_dilated(
            feature, W1, (1, 1), "SAME",
            dimension_numbers=("NCHW", "OIHW", "NCHW"))
        + b1[None, :, None, None])
    t2 = jnp.transpose(t, (0, 2, 3, 1)).reshape(B, H * W, C)
    t2 = jnp.pad(t2, ((0, 0), (0, NT - H * W), (0, 0)))

    wc = jnp.concatenate([Wc.reshape(A, C).T, Wb.reshape(4 * A, C).T], axis=1)
    wc = jnp.pad(wc, ((0, 0), (0, 48 - 45))).astype(jnp.bfloat16)
    bias = jnp.zeros((1, 1, 256), jnp.float32)
    bias = bias.at[0, 0, :45].set(jnp.concatenate([bc, bb]))

    y = pl.pallas_call(
        _score_body,
        grid=(B,),
        in_specs=[
            pl.BlockSpec((1, NT, C), lambda b: (b, 0, 0)),
            pl.BlockSpec((C, 48), lambda b: (0, 0)),
            pl.BlockSpec((1, 1, 256), lambda b: (0, 0, 0)),
        ],
        out_specs=pl.BlockSpec((1, NT, 48), lambda b: (b, 0, 0)),
        out_shape=jax.ShapeDtypeStruct((B, NT, 48), jnp.float32),
    )(t2, wc, bias)

    y = y[:, :H * W, :45]
    obj = y[..., :A].reshape(B, H * W * A)
    deltas = y[..., A:45].reshape(B, H * W * A, 4)
    return obj, deltas


K = 1024


def _nms_body(sc_ref, dx_ref, dy_ref, dw_ref, dh_ref, wa_ref, ha_ref,
              cx_ref, cy_ref, out_ref):
    scores = sc_ref[0]
    dx, dy = dx_ref[0], dy_ref[0]
    dw, dh = dw_ref[0], dh_ref[0]
    widths, heights = wa_ref[0], ha_ref[0]
    ctr_x, ctr_y = cx_ref[0], cy_ref[0]

    bbox_clip = float(np.log(1000.0 / 16.0))
    dw = jnp.minimum(dw, bbox_clip)
    dh = jnp.minimum(dh, bbox_clip)
    pcx = dx * widths + ctr_x
    pcy = dy * heights + ctr_y
    pw = jnp.exp(dw) * widths
    ph = jnp.exp(dh) * heights
    x1 = jnp.clip(pcx - 0.5 * pw, 0.0, float(IMG))
    y1 = jnp.clip(pcy - 0.5 * ph, 0.0, float(IMG))
    x2 = jnp.clip(pcx + 0.5 * pw, 0.0, float(IMG))
    y2 = jnp.clip(pcy + 0.5 * ph, 0.0, float(IMG))
    valid = ((x2 - x1) >= MIN_SIZE) & ((y2 - y1) >= MIN_SIZE)
    scores = jnp.where(valid, scores, -jnp.inf)

    def col(v):
        return jax.lax.broadcast_in_dim(v.reshape(K), (K, K), (0,))

    def row(v):
        return jax.lax.broadcast_in_dim(v.reshape(K), (K, K), (1,))

    area = (x2 - x1) * (y2 - y1)
    ltx = jnp.maximum(col(x1), row(x1))
    lty = jnp.maximum(col(y1), row(y1))
    rbx = jnp.minimum(col(x2), row(x2))
    rby = jnp.minimum(col(y2), row(y2))
    inter = jnp.maximum(rbx - ltx, 0.0) * jnp.maximum(rby - lty, 0.0)
    iou = inter / (col(area) + row(area) - inter + 1e-9)

    ii = jax.lax.broadcasted_iota(jnp.int32, (K, K), 0)
    jj = jax.lax.broadcasted_iota(jnp.int32, (K, K), 1)
    sup = ((iou > NMS_THRESH) & (ii < jj)).astype(jnp.bfloat16)

    def step(keep):
        hit = jnp.dot(keep.astype(jnp.bfloat16), sup,
                      preferred_element_type=jnp.float32)
        return (hit <= 0.5).astype(jnp.float32)

    def cond(carry):
        keep, prev_changed = carry
        return prev_changed > 0

    def body(carry):
        keep, _ = carry
        nxt = step(keep)
        return nxt, jnp.sum(jnp.abs(nxt - keep))

    keep0 = jnp.ones((1, K), jnp.float32)
    keep, _ = jax.lax.while_loop(cond, body, (keep0, jnp.float32(1.0)))

    kf = (keep > 0.5) & (scores > -jnp.inf)
    kf_b = kf.astype(jnp.bfloat16)
    nk_b = 1.0 - kf_b
    tri = (ii <= jj).astype(jnp.bfloat16)
    csk = jnp.dot(kf_b, tri, preferred_element_type=jnp.float32)
    csn = jnp.dot(nk_b, tri, preferred_element_type=jnp.float32)
    nkept = csk[0, K - 1]
    pos = jnp.where(kf, csk - 1.0, nkept + csn - 1.0)
    pos = pos.astype(jnp.int32)

    permT = (col(pos.astype(jnp.int32)) == jj).astype(jnp.float32)

    def permute(v):
        return jnp.dot(v, permT, preferred_element_type=jnp.float32)

    out_ref[0, 0] = permute(x1)[0]
    out_ref[0, 1] = permute(y1)[0]
    out_ref[0, 2] = permute(x2)[0]
    out_ref[0, 3] = permute(y2)[0]


def _nms_stage(scores, deltas, idx):
    a = idx % A
    hw = idx // A
    wcol = (hw % W).astype(jnp.float32)
    hrow = (hw // W).astype(jnp.float32)
    scales = np.array([128.0, 256.0, 512.0], np.float32)
    ratios = np.array([0.5, 1.0, 2.0], np.float32)
    hr = np.sqrt(ratios)
    ws_t = jnp.asarray((scales[:, None] * hr[None, :]).reshape(-1))
    hs_t = jnp.asarray((scales[:, None] * (1.0 / hr)[None, :]).reshape(-1))
    widths = ws_t[a]
    heights = hs_t[a]
    ctr_x = wcol * float(IMG // W)
    ctr_y = hrow * float(IMG // H)

    ins = [scores[:, None, :], deltas[..., 0][:, None, :],
           deltas[..., 1][:, None, :], deltas[..., 2][:, None, :],
           deltas[..., 3][:, None, :], widths[:, None, :],
           heights[:, None, :], ctr_x[:, None, :], ctr_y[:, None, :]]
    vec_spec = pl.BlockSpec((1, 1, K), lambda b: (b, 0, 0))
    out = pl.pallas_call(
        _nms_body,
        grid=(B,),
        in_specs=[vec_spec] * 9,
        out_specs=pl.BlockSpec((1, 4, K), lambda b: (b, 0, 0)),
        out_shape=jax.ShapeDtypeStruct((B, 4, K), jnp.float32),
    )(*ins)
    return jnp.transpose(out, (0, 2, 1))


def kernel(images, feature, W1, b1, Wc, bc, Wb, bb):
    obj, deltas = _conv_stage(feature, W1, b1, Wc, bc, Wb, bb)
    scores, top_idx = jax.lax.top_k(obj, PRE_NMS)
    tdeltas = jnp.take_along_axis(deltas, top_idx[..., None], axis=1)
    scores = jnp.pad(scores, ((0, 0), (0, K - PRE_NMS)),
                     constant_values=-jnp.inf)
    tdeltas = jnp.pad(tdeltas, ((0, 0), (0, K - PRE_NMS), (0, 0)))
    top_idx = jnp.pad(top_idx, ((0, 0), (0, K - PRE_NMS)))
    boxes = _nms_stage(scores, tdeltas, top_idx)
    return boxes[:, :POST_NMS]

# --- scband reference (transcript-rebuilt; emitter-appended) ---
"""Pipeline reference for scband-region-proposal-network-39522289057800 (READ-ONLY COPY).

The authoritative reference and input builder live on the scoring server;
editing this copy changes nothing except your own understanding.
"""

import jax, jax.numpy as jnp
import numpy as np

B, C, A = 2, 256, 9
H = W = 50
IMG = 800
PRE_NMS = 1000
POST_NMS = 1000
NMS_THRESH = 0.7
MIN_SIZE = 0.001


def setup_inputs(seed: int = 0):
    key = jax.random.key(seed)
    ks = jax.random.split(key, 8)
    images = jax.random.normal(ks[0], (B, 3, IMG, IMG), dtype=jnp.float32)
    feature = jax.random.normal(ks[1], (B, C, H, W), dtype=jnp.float32)
    W1 = jax.random.normal(ks[2], (C, C, 3, 3), dtype=jnp.float32) * 0.01
    b1 = jnp.zeros((C,), jnp.float32)
    Wc = jax.random.normal(ks[3], (A, C, 1, 1), dtype=jnp.float32) * 0.01
    bc = jnp.zeros((A,), jnp.float32)
    Wb = jax.random.normal(ks[4], (4 * A, C, 1, 1), dtype=jnp.float32) * 0.01
    bb = jnp.zeros((4 * A,), jnp.float32)
    return {"images": images, "feature": feature, "W1": W1, "b1": b1, "Wc": Wc, "bc": bc, "Wb": Wb, "bb": bb}


def _conv(x, w, b, pad):
    y = jax.lax.conv_general_dilated(x, w, (1, 1), pad, dimension_numbers=("NCHW", "OIHW", "NCHW"))
    return y + b[None, :, None, None]


def _permute_and_flatten(layer, batch, num_anchors, num_channels, height, width):
    layer = layer.reshape(batch, num_anchors, num_channels, height, width)
    layer = jnp.transpose(layer, (0, 3, 4, 1, 2))
    return layer.reshape(batch, -1, num_channels)


def _grid_anchors():
    scales = jnp.array([128.0, 256.0, 512.0], jnp.float32)
    ratios = jnp.array([0.5, 1.0, 2.0], jnp.float32)
    h_ratios = jnp.sqrt(ratios)
    w_ratios = 1.0 / h_ratios
    hs = (scales[:, None] * w_ratios[None, :]).reshape(-1)
    ws = (scales[:, None] * h_ratios[None, :]).reshape(-1)
    base = jnp.stack([-ws, -hs, ws, hs], axis=1) / 2.0
    stride_h = IMG // H
    stride_w = IMG // W
    shifts_x = jnp.arange(W, dtype=jnp.float32) * stride_w
    shifts_y = jnp.arange(H, dtype=jnp.float32) * stride_h
    sy, sx = jnp.meshgrid(shifts_y, shifts_x, indexing="ij")
    sx = sx.reshape(-1)
    sy = sy.reshape(-1)
    shifts = jnp.stack([sx, sy, sx, sy], axis=1)
    return (shifts[:, None, :] + base[None, :, :]).reshape(-1, 4)


def _decode(deltas, anchors):
    widths = anchors[:, 2] - anchors[:, 0]
    heights = anchors[:, 3] - anchors[:, 1]
    ctr_x = anchors[:, 0] + 0.5 * widths
    ctr_y = anchors[:, 1] + 0.5 * heights
    dx, dy, dw, dh = deltas[:, 0], deltas[:, 1], deltas[:, 2], deltas[:, 3]
    bbox_clip = float(np.log(1000.0 / 16.0))
    dw = jnp.minimum(dw, bbox_clip)
    dh = jnp.minimum(dh, bbox_clip)
    pcx = dx * widths + ctr_x
    pcy = dy * heights + ctr_y
    pw = jnp.exp(dw) * widths
    ph = jnp.exp(dh) * heights
    return jnp.stack([pcx - 0.5 * pw, pcy - 0.5 * ph, pcx + 0.5 * pw, pcy + 0.5 * ph], axis=1)


def _box_iou(a, b):
    area_a = (a[:, 2] - a[:, 0]) * (a[:, 3] - a[:, 1])
    area_b = (b[:, 2] - b[:, 0]) * (b[:, 3] - b[:, 1])
    lt = jnp.maximum(a[:, None, :2], b[None, :, :2])
    rb = jnp.minimum(a[:, None, 2:], b[None, :, 2:])
    wh = jnp.maximum(rb - lt, 0.0)
    inter = wh[..., 0] * wh[..., 1]
    return inter / (area_a[:, None] + area_b[None, :] - inter + 1e-9)


def _nms_select(boxes, scores):
    order = jnp.argsort(-scores)
    boxes_s = boxes[order]
    scores_s = scores[order]
    K = boxes_s.shape[0]
    iou = jax.lax.stop_gradient(_box_iou(boxes_s, boxes_s))
    idxs = jnp.arange(K)

    def body(i, keep):
        suppress = (iou[i] > NMS_THRESH) & keep[i] & (idxs > i)
        return keep & (~suppress)

    keep = jax.lax.fori_loop(0, K, body, jnp.ones((K,), bool))
    final_scores = jnp.where(keep, scores_s, -jnp.inf)
    _, top_idx = jax.lax.top_k(final_scores, POST_NMS)
    return boxes_s[top_idx], final_scores[top_idx]


def reference(images, feature, W1, b1, Wc, bc, Wb, bb):
    t = jax.nn.relu(_conv(feature, W1, b1, "SAME"))
    logits = _conv(t, Wc, bc, "VALID")
    bbox_reg = _conv(t, Wb, bb, "VALID")
    obj = _permute_and_flatten(logits, B, A, 1, H, W).reshape(B, -1)
    deltas = _permute_and_flatten(bbox_reg, B, A, 4, H, W)
    anchors = _grid_anchors()
    img_h = images.shape[2]
    img_w = images.shape[3]
    out_boxes = []
    for i in range(B):
        scores_i, top_idx = jax.lax.top_k(obj[i], PRE_NMS)
        deltas_i = deltas[i][top_idx]
        anchors_i = anchors[top_idx]
        proposals = _decode(deltas_i, anchors_i)
        x1 = jnp.clip(proposals[:, 0], 0.0, img_w)
        y1 = jnp.clip(proposals[:, 1], 0.0, img_h)
        x2 = jnp.clip(proposals[:, 2], 0.0, img_w)
        y2 = jnp.clip(proposals[:, 3], 0.0, img_h)
        proposals = jnp.stack([x1, y1, x2, y2], axis=1)
        ws_ = proposals[:, 2] - proposals[:, 0]
        hs_ = proposals[:, 3] - proposals[:, 1]
        valid = (ws_ >= MIN_SIZE) & (hs_ >= MIN_SIZE)
        scores_i = jnp.where(valid, scores_i, -jnp.inf)
        b_i, s_i = _nms_select(proposals, scores_i)
        out_boxes.append(b_i)
    return jnp.stack(out_boxes, 0)

if __name__ == "__main__":
    import jax
    _d = setup_inputs()
    print(jax.jit(kernel)(*tuple(_d.values())))

</pallas_src>

<mosaic_0001>
module attributes {stable_mosaic.version = 14 : i64} {
  func.func @_score_body(%arg0: i32, %arg1: memref<1x2560x256xf32, #tpu.memory_space<vmem>>, %arg2: memref<256x48xbf16, #tpu.memory_space<vmem>>, %arg3: memref<1x1x256xf32, #tpu.memory_space<vmem>>, %arg4: memref<1x2560x48xf32, #tpu.memory_space<vmem>>) attributes {dimension_semantics = [#tpu.dimension_semantics<arbitrary>], iteration_bounds = array<i64: 2>, scalar_prefetch = 0 : i64, scratch_operands = 0 : i64, tpu.core_type = #tpu.core_type<tc>, window_params = [{transform_indices = @transform_0, window_bounds = array<i64: 1, 2560, 256>}, {pipeline_mode = #tpu.pipeline_mode<synchronous>, transform_indices = @transform_1, window_bounds = array<i64: 256, 48>}, {pipeline_mode = #tpu.pipeline_mode<synchronous>, transform_indices = @transform_2, window_bounds = array<i64: 1, 1, 256>}, {transform_indices = @transform_3, window_bounds = array<i64: 1, 2560, 48>}]} {
    %get3A = arith.constant 0 : index
    %get3A_0 = arith.constant 0 : index
    %get3A_1 = arith.constant 0 : index
    %get3A_2 = vector.load %arg1[%get3A, %get3A_0, %get3A_1] : memref<1x2560x256xf32, #tpu.memory_space<vmem>>, vector<1x2560x256xf32>
    %get3A_3 = vector.shape_cast %get3A_2 : vector<1x2560x256xf32> to vector<2560x256xf32>
    %convert_element_type3A = arith.truncf %get3A_3 : vector<2560x256xf32> to vector<2560x256xbf16>
    %get3A_4 = arith.constant 0 : index
    %get3A_5 = arith.constant 0 : index
    %get3A_6 = vector.load %arg2[%get3A_4, %get3A_5] : memref<256x48xbf16, #tpu.memory_space<vmem>>, vector<256x48xbf16>
    %dot_general3A = arith.constant dense<0.000000e+00> : vector<2560x48xf32>
    %dot_general3A_7 = tpu.matmul %convert_element_type3A, %get3A_6, %dot_general3A {dimension_numbers = #tpu.dot_dimension_numbers<[1], [0], [0], [1], [0, 0, 1, 1], [], []>, transpose_lhs_hint = false} : vector<2560x256xbf16>, vector<256x48xbf16>, vector<2560x48xf32> -> vector<2560x48xf32>
    %get3A_8 = arith.constant 0 : index
    %get3A_9 = arith.constant 0 : index
    %get3A_10 = arith.constant 0 : index
    %get3A_11 = vector.load %arg3[%get3A_8, %get3A_9, %get3A_10] : memref<1x1x256xf32, #tpu.memory_space<vmem>>, vector<1x1x48xf32>
    %get3A_12 = vector.shape_cast %get3A_11 : vector<1x1x48xf32> to vector<1x48xf32>
    %add3A = vector.broadcast %get3A_12 : vector<1x48xf32> to vector<2560x48xf32>
    %add3A_13 = arith.addf %dot_general3A_7, %add3A : vector<2560x48xf32>
    %swap3A = arith.constant 0 : index
    %swap3A_14 = arith.constant 0 : index
    %swap3A_15 = arith.constant 0 : index
    %swap3A_16 = vector.load %arg4[%swap3A, %swap3A_14, %swap3A_15] : memref<1x2560x48xf32, #tpu.memory_space<vmem>>, vector<1x2560x48xf32>
    %swap3A_17 = vector.shape_cast %swap3A_16 : vector<1x2560x48xf32> to vector<2560x48xf32>
    %swap3A_18 = vector.shape_cast %add3A_13 : vector<2560x48xf32> to vector<1x2560x48xf32>
    tpu.vector_store %arg4[%swap3A, %swap3A_14, %swap3A_15], %swap3A_18 {strides = array<i32>} : memref<1x2560x48xf32, #tpu.memory_space<vmem>>, vector<1x2560x48xf32>,
    return
  }
  func.func @transform_0(%arg0: i32) -> (i32, i32, i32) {
    %c0_i32 = arith.constant 0 : i32
    %c0_i32_0 = arith.constant 0 : i32
    %c0_i32_1 = arith.constant 0 : i32
    return %arg0, %c0_i32, %c0_i32_0 : i32, i32, i32
  }
  func.func @transform_1(%arg0: i32) -> (i32, i32) {
    %c0_i32 = arith.constant 0 : i32
    %c0_i32_0 = arith.constant 0 : i32
    %c0_i32_1 = arith.constant 0 : i32
    return %c0_i32, %c0_i32_0 : i32, i32
  }
  func.func @transform_2(%arg0: i32) -> (i32, i32, i32) {
    %c0_i32 = arith.constant 0 : i32
    %c0_i32_0 = arith.constant 0 : i32
    %c0_i32_1 = arith.constant 0 : i32
    %c0_i32_2 = arith.constant 0 : i32
    return %c0_i32, %c0_i32_0, %c0_i32_1 : i32, i32, i32
  }
  func.func @transform_3(%arg0: i32) -> (i32, i32, i32) {
    %c0_i32 = arith.constant 0 : i32
    %c0_i32_0 = arith.constant 0 : i32
    %c0_i32_1 = arith.constant 0 : i32
    return %arg0, %c0_i32, %c0_i32_0 : i32, i32, i32
  }
}

module attributes {stable_mosaic.version = 14 : i64} {
  func.func @_nms_body(%arg0: i32, %arg1: memref<1x1x1024xf32, #tpu.memory_space<vmem>>, %arg2: memref<1x1x1024xf32, #tpu.memory_space<vmem>>, %arg3: memref<1x1x1024xf32, #tpu.memory_space<vmem>>, %arg4: memref<1x1x1024xf32, #tpu.memory_space<vmem>>, %arg5: memref<1x1x1024xf32, #tpu.memory_space<vmem>>, %arg6: memref<1x1x1024xf32, #tpu.memory_space<vmem>>, %arg7: memref<1x1x1024xf32, #tpu.memory_space<vmem>>, %arg8: memref<1x1x1024xf32, #tpu.memory_space<vmem>>, %arg9: memref<1x1x1024xf32, #tpu.memory_space<vmem>>, %arg10: memref<1x4x1024xf32, #tpu.memory_space<vmem>>) attributes {dimension_semantics = [#tpu.dimension_semantics<arbitrary>], iteration_bounds = array<i64: 2>, scalar_prefetch = 0 : i64, scratch_operands = 0 : i64, tpu.core_type = #tpu.core_type<tc>, window_params = [{transform_indices = @transform_0, window_bounds = array<i64: 1, 1, 1024>}, {transform_indices = @transform_1, window_bounds = array<i64: 1, 1, 1024>}, {transform_indices = @transform_2, window_bounds = array<i64: 1, 1, 1024>}, {transform_indices = @transform_3, window_bounds = array<i64: 1, 1, 1024>}, {transform_indices = @transform_4, window_bounds = array<i64: 1, 1, 1024>}, {transform_indices = @transform_5, window_bounds = array<i64: 1, 1, 1024>}, {transform_indices = @transform_6, window_bounds = array<i64: 1, 1, 1024>}, {transform_indices = @transform_7, window_bounds = array<i64: 1, 1, 1024>}, {transform_indices = @transform_8, window_bounds = array<i64: 1, 1, 1024>}, {transform_indices = @transform_9, window_bounds = array<i64: 1, 4, 1024>}]} {
    %get3A = arith.constant 0 : index
    %get3A_0 = arith.constant 0 : index
    %get3A_1 = arith.constant 0 : index
    %get3A_2 = vector.load %arg1[%get3A, %get3A_0, %get3A_1] : memref<1x1x1024xf32, #tpu.memory_space<vmem>>, vector<1x1x1024xf32>
    %get3A_3 = vector.shape_cast %get3A_2 : vector<1x1x1024xf32> to vector<1x1024xf32>
    %get3A_4 = arith.constant 0 : index
    %get3A_5 = arith.constant 0 : index
    %get3A_6 = arith.constant 0 : index
    %get3A_7 = vector.load %arg2[%get3A_4, %get3A_5, %get3A_6] : memref<1x1x1024xf32, #tpu.memory_space<vmem>>, vector<1x1x1024xf32>
    %get3A_8 = vector.shape_cast %get3A_7 : vector<1x1x1024xf32> to vector<1x1024xf32>
    %get3A_9 = arith.constant 0 : index
    %get3A_10 = arith.constant 0 : index
    %get3A_11 = arith.constant 0 : index
    %get3A_12 = vector.load %arg3[%get3A_9, %get3A_10, %get3A_11] : memref<1x1x1024xf32, #tpu.memory_space<vmem>>, vector<1x1x1024xf32>
    %get3A_13 = vector.shape_cast %get3A_12 : vector<1x1x1024xf32> to vector<1x1024xf32>
    %get3A_14 = arith.constant 0 : index
    %get3A_15 = arith.constant 0 : index
    %get3A_16 = arith.constant 0 : index
    %get3A_17 = vector.load %arg4[%get3A_14, %get3A_15, %get3A_16] : memref<1x1x1024xf32, #tpu.memory_space<vmem>>, vector<1x1x1024xf32>
    %get3A_18 = vector.shape_cast %get3A_17 : vector<1x1x1024xf32> to vector<1x1024xf32>
    %get3A_19 = arith.constant 0 : index
    %get3A_20 = arith.constant 0 : index
    %get3A_21 = arith.constant 0 : index
    %get3A_22 = vector.load %arg5[%get3A_19, %get3A_20, %get3A_21] : memref<1x1x1024xf32, #tpu.memory_space<vmem>>, vector<1x1x1024xf32>
    %get3A_23 = vector.shape_cast %get3A_22 : vector<1x1x1024xf32> to vector<1x1024xf32>
    %get3A_24 = arith.constant 0 : index
    %get3A_25 = arith.constant 0 : index
    %get3A_26 = arith.constant 0 : index
    %get3A_27 = vector.load %arg6[%get3A_24, %get3A_25, %get3A_26] : memref<1x1x1024xf32, #tpu.memory_space<vmem>>, vector<1x1x1024xf32>
    %get3A_28 = vector.shape_cast %get3A_27 : vector<1x1x1024xf32> to vector<1x1024xf32>
    %get3A_29 = arith.constant 0 : index
    %get3A_30 = arith.constant 0 : index
    %get3A_31 = arith.constant 0 : index
    %get3A_32 = vector.load %arg7[%get3A_29, %get3A_30, %get3A_31] : memref<1x1x1024xf32, #tpu.memory_space<vmem>>, vector<1x1x1024xf32>
    %get3A_33 = vector.shape_cast %get3A_32 : vector<1x1x1024xf32> to vector<1x1024xf32>
    %get3A_34 = arith.constant 0 : index
    %get3A_35 = arith.constant 0 : index
    %get3A_36 = arith.constant 0 : index
    %get3A_37 = vector.load %arg8[%get3A_34, %get3A_35, %get3A_36] : memref<1x1x1024xf32, #tpu.memory_space<vmem>>, vector<1x1x1024xf32>
    %get3A_38 = vector.shape_cast %get3A_37 : vector<1x1x1024xf32> to vector<1x1024xf32>
    %get3A_39 = arith.constant 0 : index
    %get3A_40 = arith.constant 0 : index
    %get3A_41 = arith.constant 0 : index
    %get3A_42 = vector.load %arg9[%get3A_39, %get3A_40, %get3A_41] : memref<1x1x1024xf32, #tpu.memory_space<vmem>>, vector<1x1x1024xf32>
    %get3A_43 = vector.shape_cast %get3A_42 : vector<1x1x1024xf32> to vector<1x1024xf32>
    %min3A = arith.constant 4.13516665 : f32
    %min3A_44 = vector.broadcast %min3A : f32 to vector<1x1024xf32>
    %min3A_45 = arith.minimumf %get3A_18, %min3A_44 : vector<1x1024xf32>
    %min3A_46 = arith.constant 4.13516665 : f32
    %min3A_47 = vector.broadcast %min3A_46 : f32 to vector<1x1024xf32>
    %min3A_48 = arith.minimumf %get3A_23, %min3A_47 : vector<1x1024xf32>
    %mul3A = arith.mulf %get3A_8, %get3A_28 : vector<1x1024xf32>
    %add3A = arith.addf %mul3A, %get3A_38 : vector<1x1024xf32>
    %mul3A_49 = arith.mulf %get3A_13, %get3A_33 : vector<1x1024xf32>
    %add3A_50 = arith.addf %mul3A_49, %get3A_43 : vector<1x1024xf32>
    %exp3A = math.exp %min3A_45 : vector<1x1024xf32>
    %mul3A_51 = arith.mulf %exp3A, %get3A_28 : vector<1x1024xf32>
    %exp3A_52 = math.exp %min3A_48 : vector<1x1024xf32>
    %mul3A_53 = arith.mulf %exp3A_52, %get3A_33 : vector<1x1024xf32>
    %mul3A_54 = arith.constant 5.000000e-01 : f32
    %mul3A_55 = vector.broadcast %mul3A_54 : f32 to vector<1x1024xf32>
    %mul3A_56 = arith.mulf %mul3A_55, %mul3A_51 : vector<1x1024xf32>
    %sub3A = arith.subf %add3A, %mul3A_56 : vector<1x1024xf32>
    %jit3A = arith.constant 0.000000e+00 : f32
    %jit3A_57 = arith.constant 8.000000e+02 : f32
    %max3A = vector.broadcast %jit3A : f32 to vector<1x1024xf32>
    %max3A_58 = arith.maximumf %max3A, %sub3A : vector<1x1024xf32>
    %min3A_59 = vector.broadcast %jit3A_57 : f32 to vector<1x1024xf32>
    %min3A_60 = arith.minimumf %min3A_59, %max3A_58 : vector<1x1024xf32>
    %mul3A_61 = arith.constant 5.000000e-01 : f32
    %mul3A_62 = vector.broadcast %mul3A_61 : f32 to vector<1x1024xf32>
    %mul3A_63 = arith.mulf %mul3A_62, %mul3A_53 : vector<1x1024xf32>
    %sub3A_64 = arith.subf %add3A_50, %mul3A_63 : vector<1x1024xf32>
    %jit3A_65 = arith.constant 0.000000e+00 : f32
    %jit3A_66 = arith.constant 8.000000e+02 : f32
    %max3A_67 = vector.broadcast %jit3A_65 : f32 to vector<1x1024xf32>
    %max3A_68 = arith.maximumf %max3A_67, %sub3A_64 : vector<1x1024xf32>
    %min3A_69 = vector.broadcast %jit3A_66 : f32 to vector<1x1024xf32>
    %min3A_70 = arith.minimumf %min3A_69, %max3A_68 : vector<1x1024xf32>
    %mul3A_71 = arith.constant 5.000000e-01 : f32
    %mul3A_72 = vector.broadcast %mul3A_71 : f32 to vector<1x1024xf32>
    %mul3A_73 = arith.mulf %mul3A_72, %mul3A_51 : vector<1x1024xf32>
    %add3A_74 = arith.addf %add3A, %mul3A_73 : vector<1x1024xf32>
    %jit3A_75 = arith.constant 0.000000e+00 : f32
    %jit3A_76 = arith.constant 8.000000e+02 : f32
    %max3A_77 = vector.broadcast %jit3A_75 : f32 to vector<1x1024xf32>
    %max3A_78 = arith.maximumf %max3A_77, %add3A_74 : vector<1x1024xf32>
    %min3A_79 = vector.broadcast %jit3A_76 : f32 to vector<1x1024xf32>
    %min3A_80 = arith.minimumf %min3A_79, %max3A_78 : vector<1x1024xf32>
    %mul3A_81 = arith.constant 5.000000e-01 : f32
    %mul3A_82 = vector.broadcast %mul3A_81 : f32 to vector<1x1024xf32>
    %mul3A_83 = arith.mulf %mul3A_82, %mul3A_53 : vector<1x1024xf32>
    %add3A_84 = arith.addf %add3A_50, %mul3A_83 : vector<1x1024xf32>
    %jit3A_85 = arith.constant 0.000000e+00 : f32
    %jit3A_86 = arith.constant 8.000000e+02 : f32
    %max3A_87 = vector.broadcast %jit3A_85 : f32 to vector<1x1024xf32>
    %max3A_88 = arith.maximumf %max3A_87, %add3A_84 : vector<1x1024xf32>
    %min3A_89 = vector.broadcast %jit3A_86 : f32 to vector<1x1024xf32>
    %min3A_90 = arith.minimumf %min3A_89, %max3A_88 : vector<1x1024xf32>
    %sub3A_91 = arith.subf %min3A_80, %min3A_60 : vector<1x1024xf32>
    %ge3A = arith.constant 1.000000e-03 : f32
    %ge3A_92 = vector.broadcast %ge3A : f32 to vector<1x1024xf32>
    %ge3A_93 = arith.cmpf oge, %sub3A_91, %ge3A_92 : vector<1x1024xf32>
    %sub3A_94 = arith.subf %min3A_90, %min3A_70 : vector<1x1024xf32>
    %ge3A_95 = arith.constant 1.000000e-03 : f32
    %ge3A_96 = vector.broadcast %ge3A_95 : f32 to vector<1x1024xf32>
    %ge3A_97 = arith.cmpf oge, %sub3A_94, %ge3A_96 : vector<1x1024xf32>
    %and3A = arith.andi %ge3A_93, %ge3A_97 : vector<1x1024xi1>
    %jit3A_98 = arith.constant 0xFF800000 : f32
    %broadcast_in_dim3A = vector.broadcast %jit3A_98 : f32 to vector<1x1024xf32>
    %select_n3A = arith.select %and3A, %get3A_3, %broadcast_in_dim3A : vector<1x1024xi1>, vector<1x1024xf32>
    %sub3A_99 = arith.subf %min3A_80, %min3A_60 : vector<1x1024xf32>
    %sub3A_100 = arith.subf %min3A_90, %min3A_70 : vector<1x1024xf32>
    %mul3A_101 = arith.mulf %sub3A_99, %sub3A_100 : vector<1x1024xf32>
    %reshape3A = vector.shape_cast %min3A_60 : vector<1x1024xf32> to vector<1024xf32>
    %broadcast_in_dim3A_102 = vector.shape_cast %reshape3A : vector<1024xf32> to vector<1024x1xf32>
    %broadcast_in_dim3A_103 = vector.broadcast %broadcast_in_dim3A_102 : vector<1024x1xf32> to vector<1024x1024xf32>
    %reshape3A_104 = vector.shape_cast %min3A_60 : vector<1x1024xf32> to vector<1024xf32>
    %broadcast_in_dim3A_105 = vector.shape_cast %reshape3A_104 : vector<1024xf32> to vector<1x1024xf32>
    %broadcast_in_dim3A_106 = vector.broadcast %broadcast_in_dim3A_105 : vector<1x1024xf32> to vector<1024x1024xf32>
    %max3A_107 = arith.maximumf %broadcast_in_dim3A_103, %broadcast_in_dim3A_106 : vector<1024x1024xf32>
    %reshape3A_108 = vector.shape_cast %min3A_70 : vector<1x1024xf32> to vector<1024xf32>
    %broadcast_in_dim3A_109 = vector.shape_cast %reshape3A_108 : vector<1024xf32> to vector<1024x1xf32>
    %broadcast_in_dim3A_110 = vector.broadcast %broadcast_in_dim3A_109 : vector<1024x1xf32> to vector<1024x1024xf32>
    %reshape3A_111 = vector.shape_cast %min3A_70 : vector<1x1024xf32> to vector<1024xf32>
    %broadcast_in_dim3A_112 = vector.shape_cast %reshape3A_111 : vector<1024xf32> to vector<1x1024xf32>
    %broadcast_in_dim3A_113 = vector.broadcast %broadcast_in_dim3A_112 : vector<1x1024xf32> to vector<1024x1024xf32>
    %max3A_114 = arith.maximumf %broadcast_in_dim3A_110, %broadcast_in_dim3A_113 : vector<1024x1024xf32>
    %reshape3A_115 = vector.shape_cast %min3A_80 : vector<1x1024xf32> to vector<1024xf32>
    %broadcast_in_dim3A_116 = vector.shape_cast %reshape3A_115 : vector<1024xf32> to vector<1024x1xf32>
    %broadcast_in_dim3A_117 = vector.broadcast %broadcast_in_dim3A_116 : vector<1024x1xf32> to vector<1024x1024xf32>
    %reshape3A_118 = vector.shape_cast %min3A_80 : vector<1x1024xf32> to vector<1024xf32>
    %broadcast_in_dim3A_119 = vector.shape_cast %reshape3A_118 : vector<1024xf32> to vector<1x1024xf32>
    %broadcast_in_dim3A_120 = vector.broadcast %broadcast_in_dim3A_119 : vector<1x1024xf32> to vector<1024x1024xf32>
    %min3A_121 = arith.minimumf %broadcast_in_dim3A_117, %broadcast_in_dim3A_120 : vector<1024x1024xf32>
    %reshape3A_122 = vector.shape_cast %min3A_90 : vector<1x1024xf32> to vector<1024xf32>
    %broadcast_in_dim3A_123 = vector.shape_cast %reshape3A_122 : vector<1024xf32> to vector<1024x1xf32>
    %broadcast_in_dim3A_124 = vector.broadcast %broadcast_in_dim3A_123 : vector<1024x1xf32> to vector<1024x1024xf32>
    %reshape3A_125 = vector.shape_cast %min3A_90 : vector<1x1024xf32> to vector<1024xf32>
    %broadcast_in_dim3A_126 = vector.shape_cast %reshape3A_125 : vector<1024xf32> to vector<1x1024xf32>
    %broadcast_in_dim3A_127 = vector.broadcast %broadcast_in_dim3A_126 : vector<1x1024xf32> to vector<1024x1024xf32>
    %min3A_128 = arith.minimumf %broadcast_in_dim3A_124, %broadcast_in_dim3A_127 : vector<1024x1024xf32>
    %sub3A_129 = arith.subf %min3A_121, %max3A_107 : vector<1024x1024xf32>
    %max3A_130 = arith.constant 0.000000e+00 : f32
    %max3A_131 = vector.broadcast %max3A_130 : f32 to vector<1024x1024xf32>
    %max3A_132 = arith.maximumf %sub3A_129, %max3A_131 : vector<1024x1024xf32>
    %sub3A_133 = arith.subf %min3A_128, %max3A_114 : vector<1024x1024xf32>
    %max3A_134 = arith.constant 0.000000e+00 : f32
    %max3A_135 = vector.broadcast %max3A_134 : f32 to vector<1024x1024xf32>
    %max3A_136 = arith.maximumf %sub3A_133, %max3A_135 : vector<1024x1024xf32>
    %mul3A_137 = arith.mulf %max3A_132, %max3A_136 : vector<1024x1024xf32>
    %reshape3A_138 = vector.shape_cast %mul3A_101 : vector<1x1024xf32> to vector<1024xf32>
    %broadcast_in_dim3A_139 = vector.shape_cast %reshape3A_138 : vector<1024xf32> to vector<1024x1xf32>
    %broadcast_in_dim3A_140 = vector.broadcast %broadcast_in_dim3A_139 : vector<1024x1xf32> to vector<1024x1024xf32>
    %reshape3A_141 = vector.shape_cast %mul3A_101 : vector<1x1024xf32> to vector<1024xf32>
    %broadcast_in_dim3A_142 = vector.shape_cast %reshape3A_141 : vector<1024xf32> to vector<1x1024xf32>
    %broadcast_in_dim3A_143 = vector.broadcast %broadcast_in_dim3A_142 : vector<1x1024xf32> to vector<1024x1024xf32>
    %add3A_144 = arith.addf %broadcast_in_dim3A_140, %broadcast_in_dim3A_143 : vector<1024x1024xf32>
    %sub3A_145 = arith.subf %add3A_144, %mul3A_137 : vector<1024x1024xf32>
    %add3A_146 = arith.constant 9.99999971E-10 : f32
    %add3A_147 = vector.broadcast %add3A_146 : f32 to vector<1024x1024xf32>
    %add3A_148 = arith.addf %sub3A_145, %add3A_147 : vector<1024x1024xf32>
    %div3A = arith.divf %mul3A_137, %add3A_148 : vector<1024x1024xf32>
    %iota3A = tpu.iota {dimensions = array<i32: 0>} : vector<1024x1024xi32>
    %iota3A_149 = tpu.iota {dimensions = array<i32: 1>} : vector<1024x1024xi32>
    %gt3A = arith.constant 0.699999988 : f32
    %gt3A_150 = vector.broadcast %gt3A : f32 to vector<1024x1024xf32>
    %gt3A_151 = arith.cmpf ogt, %div3A, %gt3A_150 : vector<1024x1024xf32>
    %lt3A = arith.cmpi slt, %iota3A, %iota3A_149 : vector<1024x1024xi32>
    %and3A_152 = arith.andi %gt3A_151, %lt3A : vector<1024x1024xi1>
    %convert_element_type3A = arith.extui %and3A_152 : vector<1024x1024xi1> to vector<1024x1024xi32>
    %convert_element_type3A_153 = arith.sitofp %convert_element_type3A : vector<1024x1024xi32> to vector<1024x1024xf32>
    %convert_element_type3A_154 = arith.truncf %convert_element_type3A_153 : vector<1024x1024xf32> to vector<1024x1024xbf16>
    %broadcast_in_dim3A_155 = arith.constant 1.000000e+00 : f32
    %broadcast_in_dim3A_156 = vector.broadcast %broadcast_in_dim3A_155 : f32 to vector<1x1024xf32>
    %while3A = arith.constant 1.000000e+00 : f32
    %while3A_157:2 = scf.while (%while3A_227 = %broadcast_in_dim3A_156, %while3A_228 = %while3A) : (vector<1x1024xf32>, f32) -> (vector<1x1024xf32>, f32) {
      %gt3A_229 = arith.constant 0.000000e+00 : f32
      %gt3A_230 = arith.cmpf ogt, %while3A_228, %gt3A_229 : f32
      scf.condition(%gt3A_230) %while3A_227, %while3A_228 : vector<1x1024xf32>, f32
    } do {
    ^bb0(%while3A_227: vector<1x1024xf32>, %while3A_228: f32):
      %convert_element_type3A_229 = arith.truncf %while3A_227 : vector<1x1024xf32> to vector<1x1024xbf16>
      %dot_general3A_230 = arith.constant dense<0.000000e+00> : vector<1x1024xf32>
      %dot_general3A_231 = tpu.matmul %convert_element_type3A_229, %convert_element_type3A_154, %dot_general3A_230 {dimension_numbers = #tpu.dot_dimension_numbers<[1], [0], [0], [1], [0, 0, 1, 1], [], []>, transpose_lhs_hint = false} : vector<1x1024xbf16>, vector<1024x1024xbf16>, vector<1x1024xf32> -> vector<1x1024xf32>
      %le3A_232 = arith.constant 5.000000e-01 : f32
      %le3A_233 = vector.broadcast %le3A_232 : f32 to vector<1x1024xf32>
      %le3A_234 = arith.cmpf ole, %dot_general3A_231, %le3A_233 : vector<1x1024xf32>
      %convert_element_type3A_235 = arith.extui %le3A_234 : vector<1x1024xi1> to vector<1x1024xi32>
      %convert_element_type3A_236 = arith.sitofp %convert_element_type3A_235 : vector<1x1024xi32> to vector<1x1024xf32>
      %sub3A_237 = arith.subf %convert_element_type3A_236, %while3A_227 : vector<1x1024xf32>
      %abs3A = math.absf %sub3A_237 : vector<1x1024xf32>
      %reduce_sum3A = vector.shape_cast %abs3A : vector<1x1024xf32> to vector<1x1x1024xf32>
      %reduce_sum3A_238 = arith.constant dense<0.000000e+00> : vector<1xf32>
      %reduce_sum3A_239 = vector.multi_reduction <add>, %reduce_sum3A, %reduce_sum3A_238 [1, 2] : vector<1x1x1024xf32> to vector<1xf32>
      %reduce_sum3A_240 = vector.shape_cast %reduce_sum3A_239 : vector<1xf32> to vector<1x1x1xf32>
      %reduce_sum3A_241 = vector.extract %reduce_sum3A_240[0, 0, 0] : f32 from vector<1x1x1xf32>
      scf.yield %convert_element_type3A_236, %reduce_sum3A_241 : vector<1x1024xf32>, f32
    }
    %gt3A_158 = arith.constant 5.000000e-01 : f32
    %gt3A_159 = vector.broadcast %gt3A_158 : f32 to vector<1x1024xf32>
    %gt3A_160 = arith.cmpf ogt, %while3A_157#0, %gt3A_159 : vector<1x1024xf32>
    %gt3A_161 = arith.constant 0xFF800000 : f32
    %gt3A_162 = vector.broadcast %gt3A_161 : f32 to vector<1x1024xf32>
    %gt3A_163 = arith.cmpf ogt, %select_n3A, %gt3A_162 : vector<1x1024xf32>
    %and3A_164 = arith.andi %gt3A_160, %gt3A_163 : vector<1x1024xi1>
    %convert_element_type3A_165 = arith.extui %and3A_164 : vector<1x1024xi1> to vector<1x1024xi32>
    %convert_element_type3A_166 = arith.sitofp %convert_element_type3A_165 : vector<1x1024xi32> to vector<1x1024xf32>
    %convert_element_type3A_167 = arith.truncf %convert_element_type3A_166 : vector<1x1024xf32> to vector<1x1024xbf16>
    %sub3A_168 = arith.constant 1.000000e+00 : bf16
    %sub3A_169 = vector.broadcast %sub3A_168 : bf16 to vector<1x1024xbf16>
    %sub3A_170 = arith.subf %sub3A_169, %convert_element_type3A_167 : vector<1x1024xbf16>
    %le3A = arith.cmpi sle, %iota3A, %iota3A_149 : vector<1024x1024xi32>
    %convert_element_type3A_171 = arith.extui %le3A : vector<1024x1024xi1> to vector<1024x1024xi32>
    %convert_element_type3A_172 = arith.sitofp %convert_element_type3A_171 : vector<1024x1024xi32> to vector<1024x1024xf32>
    %convert_element_type3A_173 = arith.truncf %convert_element_type3A_172 : vector<1024x1024xf32> to vector<1024x1024xbf16>
    %dot_general3A = arith.constant dense<0.000000e+00> : vector<1x1024xf32>
    %dot_general3A_174 = tpu.matmul %convert_element_type3A_167, %convert_element_type3A_173, %dot_general3A {dimension_numbers = #tpu.dot_dimension_numbers<[1], [0], [0], [1], [0, 0, 1, 1], [], []>, transpose_lhs_hint = false} : vector<1x1024xbf16>, vector<1024x1024xbf16>, vector<1x1024xf32> -> vector<1x1024xf32>
    %dot_general3A_175 = arith.constant dense<0.000000e+00> : vector<1x1024xf32>
    %dot_general3A_176 = tpu.matmul %sub3A_170, %convert_element_type3A_173, %dot_general3A_175 {dimension_numbers = #tpu.dot_dimension_numbers<[1], [0], [0], [1], [0, 0, 1, 1], [], []>, transpose_lhs_hint = false} : vector<1x1024xbf16>, vector<1024x1024xbf16>, vector<1x1024xf32> -> vector<1x1024xf32>
    %slice3A = vector.extract_strided_slice %dot_general3A_174 {offsets = [0, 1023], sizes = [1, 1], strides = [1, 1]} : vector<1x1024xf32> to vector<1x1xf32>
    %squeeze3A = vector.extract %slice3A[0, 0] : f32 from vector<1x1xf32>
    %sub3A_177 = arith.constant 1.000000e+00 : f32
    %sub3A_178 = vector.broadcast %sub3A_177 : f32 to vector<1x1024xf32>
    %sub3A_179 = arith.subf %dot_general3A_174, %sub3A_178 : vector<1x1024xf32>
    %add3A_180 = vector.broadcast %squeeze3A : f32 to vector<1x1024xf32>
    %add3A_181 = arith.addf %add3A_180, %dot_general3A_176 : vector<1x1024xf32>
    %sub3A_182 = arith.constant 1.000000e+00 : f32
    %sub3A_183 = vector.broadcast %sub3A_182 : f32 to vector<1x1024xf32>
    %sub3A_184 = arith.subf %add3A_181, %sub3A_183 : vector<1x1024xf32>
    %select_n3A_185 = arith.select %and3A_164, %sub3A_179, %sub3A_184 : vector<1x1024xi1>, vector<1x1024xf32>
    %convert_element_type3A_186 = arith.fptosi %select_n3A_185 : vector<1x1024xf32> to vector<1x1024xi32>
    %reshape3A_187 = vector.shape_cast %convert_element_type3A_186 : vector<1x1024xi32> to vector<1024xi32>
    %broadcast_in_dim3A_188 = vector.shape_cast %reshape3A_187 : vector<1024xi32> to vector<1024x1xi32>
    %broadcast_in_dim3A_189 = vector.broadcast %broadcast_in_dim3A_188 : vector<1024x1xi32> to vector<1024x1024xi32>
    %eq3A = arith.cmpi eq, %broadcast_in_dim3A_189, %iota3A_149 : vector<1024x1024xi32>
    %convert_element_type3A_190 = arith.extui %eq3A : vector<1024x1024xi1> to vector<1024x1024xi32>
    %convert_element_type3A_191 = arith.sitofp %convert_element_type3A_190 : vector<1024x1024xi32> to vector<1024x1024xf32>
    %dot_general3A_192 = arith.constant dense<0.000000e+00> : vector<1x1024xf32>
    %dot_general3A_193 = tpu.matmul %min3A_60, %convert_element_type3A_191, %dot_general3A_192 {dimension_numbers = #tpu.dot_dimension_numbers<[1], [0], [0], [1], [0, 0, 1, 1], [], []>, transpose_lhs_hint = false} : vector<1x1024xf32>, vector<1024x1024xf32>, vector<1x1024xf32> -> vector<1x1024xf32>
    %squeeze3A_194 = vector.shape_cast %dot_general3A_193 : vector<1x1024xf32> to vector<1024xf32>
    %swap3A = arith.constant 0 : index
    %swap3A_195 = arith.constant 0 : index
    %swap3A_196 = arith.constant 0 : index
    %swap3A_197 = vector.load %arg10[%swap3A, %swap3A_195, %swap3A_196] : memref<1x4x1024xf32, #tpu.memory_space<vmem>>, vector<1x1x1024xf32>
    %swap3A_198 = vector.shape_cast %swap3A_197 : vector<1x1x1024xf32> to vector<1024xf32>
    %swap3A_199 = vector.shape_cast %squeeze3A_194 : vector<1024xf32> to vector<1x1x1024xf32>
    tpu.vector_store %arg10[%swap3A, %swap3A_195, %swap3A_196], %swap3A_199 {strides = array<i32>} : memref<1x4x1024xf32, #tpu.memory_space<vmem>>, vector<1x1x1024xf32>,
    %dot_general3A_200 = arith.constant dense<0.000000e+00> : vector<1x1024xf32>
    %dot_general3A_201 = tpu.matmul %min3A_70, %convert_element_type3A_191, %dot_general3A_200 {dimension_numbers = #tpu.dot_dimension_numbers<[1], [0], [0], [1], [0, 0, 1, 1], [], []>, transpose_lhs_hint = false} : vector<1x1024xf32>, vector<1024x1024xf32>, vector<1x1024xf32> -> vector<1x1024xf32>
    %squeeze3A_202 = vector.shape_cast %dot_general3A_201 : vector<1x1024xf32> to vector<1024xf32>
    %swap3A_203 = arith.constant 0 : index
    %swap3A_204 = arith.constant 1 : index
    %swap3A_205 = arith.constant 0 : index
    %swap3A_206 = vector.load %arg10[%swap3A_203, %swap3A_204, %swap3A_205] : memref<1x4x1024xf32, #tpu.memory_space<vmem>>, vector<1x1x1024xf32>
    %swap3A_207 = vector.shape_cast %swap3A_206 : vector<1x1x1024xf32> to vector<1024xf32>
    %swap3A_208 = vector.shape_cast %squeeze3A_202 : vector<1024xf32> to vector<1x1x1024xf32>
    tpu.vector_store %arg10[%swap3A_203, %swap3A_204, %swap3A_205], %swap3A_208 {strides = array<i32>} : memref<1x4x1024xf32, #tpu.memory_space<vmem>>, vector<1x1x1024xf32>,
    %dot_general3A_209 = arith.constant dense<0.000000e+00> : vector<1x1024xf32>
    %dot_general3A_210 = tpu.matmul %min3A_80, %convert_element_type3A_191, %dot_general3A_209 {dimension_numbers = #tpu.dot_dimension_numbers<[1], [0], [0], [1], [0, 0, 1, 1], [], []>, transpose_lhs_hint = false} : vector<1x1024xf32>, vector<1024x1024xf32>, vector<1x1024xf32> -> vector<1x1024xf32>
    %squeeze3A_211 = vector.shape_cast %dot_general3A_210 : vector<1x1024xf32> to vector<1024xf32>
    %swap3A_212 = arith.constant 0 : index
    %swap3A_213 = arith.constant 2 : index
    %swap3A_214 = arith.constant 0 : index
    %swap3A_215 = vector.load %arg10[%swap3A_212, %swap3A_213, %swap3A_214] : memref<1x4x1024xf32, #tpu.memory_space<vmem>>, vector<1x1x1024xf32>
    %swap3A_216 = vector.shape_cast %swap3A_215 : vector<1x1x1024xf32> to vector<1024xf32>
    %swap3A_217 = vector.shape_cast %squeeze3A_211 : vector<1024xf32> to vector<1x1x1024xf32>
    tpu.vector_store %arg10[%swap3A_212, %swap3A_213, %swap3A_214], %swap3A_217 {strides = array<i32>} : memref<1x4x1024xf32, #tpu.memory_space<vmem>>, vector<1x1x1024xf32>,
    %dot_general3A_218 = arith.constant dense<0.000000e+00> : vector<1x1024xf32>
    %dot_general3A_219 = tpu.matmul %min3A_90, %convert_element_type3A_191, %dot_general3A_218 {dimension_numbers = #tpu.dot_dimension_numbers<[1], [0], [0], [1], [0, 0, 1, 1], [], []>, transpose_lhs_hint = false} : vector<1x1024xf32>, vector<1024x1024xf32>, vector<1x1024xf32> -> vector<1x1024xf32>
    %squeeze3A_220 = vector.shape_cast %dot_general3A_219 : vector<1x1024xf32> to vector<1024xf32>
    %swap3A_221 = arith.constant 0 : index
    %swap3A_222 = arith.constant 3 : index
    %swap3A_223 = arith.constant 0 : index
    %swap3A_224 = vector.load %arg10[%swap3A_221, %swap3A_222, %swap3A_223] : memref<1x4x1024xf32, #tpu.memory_space<vmem>>, vector<1x1x1024xf32>
    %swap3A_225 = vector.shape_cast %swap3A_224 : vector<1x1x1024xf32> to vector<1024xf32>
    %swap3A_226 = vector.shape_cast %squeeze3A_220 : vector<1024xf32> to vector<1x1x1024xf32>
    tpu.vector_store %arg10[%swap3A_221, %swap3A_222, %swap3A_223], %swap3A_226 {strides = array<i32>} : memref<1x4x1024xf32, #tpu.memory_space<vmem>>, vector<1x1x1024xf32>,
    return
  }
  func.func @transform_0(%arg0: i32) -> (i32, i32, i32) {
    %c0_i32 = arith.constant 0 : i32
    %c0_i32_0 = arith.constant 0 : i32
    %c0_i32_1 = arith.constant 0 : i32
    return %arg0, %c0_i32, %c0_i32_0 : i32, i32, i32
  }
  func.func @transform_1(%arg0: i32) -> (i32, i32, i32) {
    %c0_i32 = arith.constant 0 : i32
    %c0_i32_0 = arith.constant 0 : i32
    %c0_i32_1 = arith.constant 0 : i32
    return %arg0, %c0_i32, %c0_i32_0 : i32, i32, i32
  }
  func.func @transform_2(%arg0: i32) -> (i32, i32, i32) {
    %c0_i32 = arith.constant 0 : i32
    %c0_i32_0 = arith.constant 0 : i32
    %c0_i32_1 = arith.constant 0 : i32
    return %arg0, %c0_i32, %c0_i32_0 : i32, i32, i32
  }
  func.func @transform_3(%arg0: i32) -> (i32, i32, i32) {
    %c0_i32 = arith.constant 0 : i32
    %c0_i32_0 = arith.constant 0 : i32
    %c0_i32_1 = arith.constant 0 : i32
    return %arg0, %c0_i32, %c0_i32_0 : i32, i32, i32
  }
  func.func @transform_4(%arg0: i32) -> (i32, i32, i32) {
    %c0_i32 = arith.constant 0 : i32
    %c0_i32_0 = arith.constant 0 : i32
    %c0_i32_1 = arith.constant 0 : i32
    return %arg0, %c0_i32, %c0_i32_0 : i32, i32, i32
  }
  func.func @transform_5(%arg0: i32) -> (i32, i32, i32) {
    %c0_i32 = arith.constant 0 : i32
    %c0_i32_0 = arith.constant 0 : i32
    %c0_i32_1 = arith.constant 0 : i32
    return %arg0, %c0_i32, %c0_i32_0 : i32, i32, i32
  }
  func.func @transform_6(%arg0: i32) -> (i32, i32, i32) {
    %c0_i32 = arith.constant 0 : i32
    %c0_i32_0 = arith.constant 0 : i32
    %c0_i32_1 = arith.constant 0 : i32
    return %arg0, %c0_i32, %c0_i32_0 : i32, i32, i32
  }
  func.func @transform_7(%arg0: i32) -> (i32, i32, i32) {
    %c0_i32 = arith.constant 0 : i32
    %c0_i32_0 = arith.constant 0 : i32
    %c0_i32_1 = arith.constant 0 : i32
    return %arg0, %c0_i32, %c0_i32_0 : i32, i32, i32
  }
  func.func @transform_8(%arg0: i32) -> (i32, i32, i32) {
    %c0_i32 = arith.constant 0 : i32
    %c0_i32_0 = arith.constant 0 : i32
    %c0_i32_1 = arith.constant 0 : i32
    return %arg0, %c0_i32, %c0_i32_0 : i32, i32, i32
  }
  func.func @transform_9(%arg0: i32) -> (i32, i32, i32) {
    %c0_i32 = arith.constant 0 : i32
    %c0_i32_0 = arith.constant 0 : i32
    %c0_i32_1 = arith.constant 0 : i32
    return %arg0, %c0_i32, %c0_i32_0 : i32, i32, i32
  }
}

</mosaic_0001>

<sc_bundles>
// kernel: gather_offload_async_start
scs
__scs_entry_jumppad:
0x0: {  	(pc) =	sbr.rel $0x88, $3  }
0x1: {  	(tag) =	ssettag $0x0;
	lr =	simm.s32 $0x1  }
0x2: {  	[smem:$0x3F9A] =	sst lr;
	_ =	strace $0xD0000000  }
0x3: {  	_ = 	snop  }
0x4: {  	_ = 	snop  }
0x5: {  	_ = 	snop  }
0x6: {  	_ = 	snop  }
0x7: {  	_ = 	snop  }
__scs_overlays_trampoline_lowered:
0x8: {  	[smem:$0x3FA9] =	sst s0  }
0x9: {  	[smem:$0x3FAA] =	sst s1  }
0xa: {  	[smem:$0x3FAB] =	sst s2  }
0xb: {  	[smem:$0x3FAC] =	sst s3  }
0xc: {  	[smem:$0x3FAD] =	sst s4  }
0xd: {  	[smem:$0x3FAE] =	sst s5  }
0xe: {  	[smem:$0x3FAF] =	sst s6  }
0xf: {  	[smem:$0x3FB0] =	sst s7  }
0x10: {  	[smem:$0x3FB1] =	sst s8  }
0x11: {  	[smem:$0x3FB2] =	sst s9;
	s0 =	simm.s32 @!p0 $0x0  }
0x12: {  	s1 =	sld [smem:$0x3F98];
	s0 =	simm.s32 @p0 $0x1  }
0x13: {  	[smem:$0x3FB3] =	sst s0;
	s0 =	simm.s32 @!p1 $0x0  }
0x14: {  	s2 =	sld [smem:$0x3F97];
	s0 =	simm.s32 @p1 $0x1  }
0x15: {  	[smem:$0x3FB4] =	sst s0;
	s0 =	simm.s32 @!p2 $0x0  }
0x16: {  	s3 =	sld [smem:$0x3FDB];
	s0 =	simm.s32 @p2 $0x1  }
0x17: {  	s4 =	simm.s32 $0x1BF5;
	[smem:$0x3FB6] =	sst s0  }
0x18: {  	s0 =	sld [smem:$0x3F99];
	_ =	swait.ge [sflag:s4], $0x0  }
0x19: {  	s7 =	sld [smem:$0x3F9A]  }
0x1a: {  	s8 =	sadd.s32 $0xFFFFE003, lr  }
0x1b: {  	s9 =	sadd.s32 $0xFFFFFEF7, lr;
	s5 =	simm.s32 $0xFFFFFFFF;
	p2 =	slt.u32 s8, $0xFFFFF086  }
0x1c: {  	p1 =	slt.u32 s9, $0xF7A;
	s5 =	simm.s32 @!p2 $0x0  }
0x1d: {  	s5 =	simm.s32 @p1 $0x1;
	p0 =	seq.s32 s7, s2  }
0x1e: {  	s7 =	smul.u32 @!p0 $0xF7A, s2;
	p2 =	seq.s32 @!p0 s5, $0x0  }
0x1f: {  	s9 =	smul.u32 $0xF7A, s1;
	s8 =	simm.s32 @!p0 $0x1BF5;
	p2 =	por !p2, p0  }
0x20: {  	[sflag:s8] =	ssyncset.s32 @!p0 $0xFFFFF086;
	s6 =	sadd.s32 @!p0 s3, s7;
	s7 =	simm.s32 @!p0 $0x108  }
0x21: {  	s3 =	sadd.s32 s3, s9;
	s6 =	sadd.s32 @!p0 $0x88, s6;
	s7 =	simm.s32 @p2 $0x1082  }
0x22: {  	[simem:s7], [sflag:s8] =	dma.local @!p0 [hbm:s6], $0xF7A  }
0x23: {  	s9 =	sor.u32 $0xD0000000, s2;
	s6 =	simm.s32 $0x108;
	_ =	swait.ge @!p0 [sflag:s8], $0x0  }
0x24: {  	s3 =	sadd.s32 $0x88, s3;
	s6 =	simm.s32 @!p1 $0x1082;
	[sflag:s4] =	ssyncset.s32 $0xFFFFF086  }
0x25: {  	[simem:s6], [sflag:s4] =	dma.local [hbm:s3], $0xF7A  }
0x26: {  	[smem:$0x3F9A] =	sst s1;
	(tag) =	ssettag s2;
	_ =	strace s9  }
0x27: {  	s1 =	sld [smem:$0x3FAA]  }
0x28: {  	s2 =	sld [smem:$0x3FAB]  }
0x29: {  	s4 =	sld [smem:$0x3FAD]  }
0x2a: {  	p0 =	seq.s32 s5, $0x0;
	s5 =	sld [smem:$0x3FAE]  }
0x2b: {  	s6 =	sld [smem:$0x3FAF]  }
0x2c: {  	s7 =	sld [smem:$0x3FB0]  }
0x2d: {  	s3 =	simm.s32 $0x108;
	s8 =	sld [smem:$0x3FB1]  }
0x2e: {  	s3 =	simm.s32 @!p0 $0x1082;
	s9 =	sld [smem:$0x3FB2]  }
0x2f: {  	lr =	sadd.s32 s0, s3;
	s0 =	sld [smem:$0x3FA9]  }
0x30: {  	s3 =	sld [smem:$0x3FAC]  }
0x31: {  	[smem:$0x3FB5] =	sst s10  }
0x32: {  	s10 =	sld [smem:$0x3FB3];
	_ =	sdelay $0x3  }
0x33: {  	p0 =	seq.s32 s10, $0x1;
	s10 =	sld [smem:$0x3FB5];
	_ =	sdelay $0x3  }
0x34: {  	[smem:$0x3FB5] =	sst s10  }
0x35: {  	s10 =	sld [smem:$0x3FB4];
	_ =	sdelay $0x3  }
0x36: {  	p1 =	seq.s32 s10, $0x1;
	s10 =	sld [smem:$0x3FB5];
	_ =	sdelay $0x3  }
0x37: {  	[smem:$0x3FB5] =	sst s10  }
0x38: {  	s10 =	sld [smem:$0x3FB6]  }
0x39: {  	_ = 	snop;
	(pc) =	sbr.ind lr, $3  }
0x3a: {  	_ = 	snop  }
0x3b: {  	_ = 	snop  }
0x3c: {  	p2 =	seq.s32 s10, $0x1;
	s10 =	sld [smem:$0x3FB5]  }
0x3d: {  	_ =	shalt  }
0x3e: {  	_ =	shalt  }
0x3f: {  	_ =	shalt  }
0x40: {  	_ =	shalt  }
0x41: {  	_ =	shalt  }
0x42: {  	_ =	shalt  }
0x43: {  	_ =	shalt  }
0x44: {  	_ =	shalt  }
0x45: {  	_ =	shalt  }
0x46: {  	_ =	shalt  }
0x47: {  	_ =	shalt  }
0x48: {  	_ =	shalt  }
0x49: {  	_ =	shalt  }
0x4a: {  	_ =	shalt  }
0x4b: {  	_ =	shalt  }
0x4c: {  	_ =	shalt  }
0x4d: {  	_ =	shalt  }
0x4e: {  	_ =	shalt  }
0x4f: {  	_ =	shalt  }
0x50: {  	_ =	shalt  }
0x51: {  	_ =	shalt  }
0x52: {  	_ =	shalt  }
0x53: {  	_ =	shalt  }
0x54: {  	_ =	shalt  }
0x55: {  	_ =	shalt  }
0x56: {  	_ =	shalt  }
0x57: {  	_ =	shalt  }
0x58: {  	_ =	shalt  }
0x59: {  	_ =	shalt  }
0x5a: {  	_ =	shalt  }
0x5b: {  	_ =	shalt  }
0x5c: {  	_ =	shalt  }
0x5d: {  	_ =	shalt  }
0x5e: {  	_ =	shalt  }
0x5f: {  	_ =	shalt  }
0x60: {  	_ =	shalt  }
0x61: {  	_ =	shalt  }
0x62: {  	_ =	shalt  }
0x63: {  	_ =	shalt  }
0x64: {  	_ =	shalt  }
0x65: {  	_ =	shalt  }
0x66: {  	_ =	shalt  }
0x67: {  	_ =	shalt  }
0x68: {  	_ =	shalt  }
0x69: {  	_ =	shalt  }
0x6a: {  	_ =	shalt  }
0x6b: {  	_ =	shalt  }
0x6c: {  	_ =	shalt  }
0x6d: {  	_ =	shalt  }
0x6e: {  	_ =	shalt  }
0x6f: {  	_ =	shalt  }
0x70: {  	_ =	shalt  }
0x71: {  	_ =	shalt  }
0x72: {  	_ =	shalt  }
0x73: {  	_ =	shalt  }
0x74: {  	_ =	shalt  }
0x75: {  	_ =	shalt  }
0x76: {  	_ =	shalt  }
0x77: {  	_ =	shalt  }
0x78: {  	_ =	shalt  }
0x79: {  	_ =	shalt  }
0x7a: {  	_ =	shalt  }
0x7b: {  	_ =	shalt  }
0x7c: {  	_ =	shalt  }
0x7d: {  	_ =	shalt  }
0x7e: {  	_ =	shalt  }
0x7f: {  	_ =	shalt  }
0x80: {  	_ =	shalt  }
0x81: {  	_ =	shalt  }
0x82: {  	_ =	shalt  }
0x83: {  	_ =	shalt  }
0x84: {  	_ =	shalt  }
0x85: {  	_ =	shalt  }
0x86: {  	_ =	shalt  }
0x87: {  	_ =	shalt  }
.Lfunc_end0:
.L_simem_size_0:
called_computation_lowered:
.L_overlay_start_0:
0x88: {  	s0 =	sld [smem:$0x3FD9]  }
0x89: {  	s1 =	sld [smem:$0x3FFE];
	_ =	sdelay $0x3  }
0x8a: {  	s0 =	sadd.s32 s1, s0  }
0x8b: {  	[smem:$0x3FC1] =	sst s0  }
0x8c: {  	_ = 	snop  }
0x8d: {  	s0 =	sld [smem:$0x3FD0];
	(tm) =	ssettm $0x1  }
0x8e: {  	s16 =	sld [smem:$0x3FFB];
	_ =	sdelay $0x3  }
0x8f: {  	_ =	strace s16  }
0x90: {  	s1 =	sld [smem:$0x3FFC];
	_ =	sdelay $0x3  }
0x91: {  	_ =	strace s1  }
0x92: {  	s1 =	sld [smem:$0x3FFD];
	_ =	sdelay $0x3  }
0x93: {  	_ =	strace s1  }
0x94: {  	_ =	strace $0x8FFFFFFF  }
0x95: {  	s17 =	sld [smem:$0x3FDB];
	_ =	sdelay $0x1  }
0x96: {  	s2 =	simm.s32 $_scs_section_size  }
0x97: {  	s3 =	simm.s32 $_size__tile_overlayer_lowered;
	s4 =	simm.s32 $_tile_overlayer_lowered  }
0x98: {  	s20 =	simm.s32 $0x1BFF;
	s19 =	sshll.u32 s4, $0x1;
	s1 =	sadd.s32 s2, s17  }
0x99: {  	s5 =	simm.s32 $0x0;
	s18 =	sshll.u32 s3, $0x1;
	s3 =	sadd.s32 s19, s1  }
0x9a: {  	[timem:s5], [sflag:s20] =	dma.local [hbm:s3], s18  }
0x9b: {  	_ =	swait.ge [sflag:s20], s18  }
0x9c: {  	s2 =	ssub.s32 $0x0, s18;
	[sflag:s20] =	ssyncset.done $0x0  }
0x9d: {  	[sflag:s20] =	ssyncadd.s32 s2;
	_ =	sdelay $0x1  }
0x9e: {  	s21 =	simm.s32 $0x1B8B  }
0x9f: {  	_ =	swait.ge [sflag:s21], $0x1  }
0xa0: {  	[sflag:s21] =	ssyncset.done $0x0  }
0xa1: {  	s23 =	simm.s32 $0x1B8E;
	s22 =	sld [smem:$0x3FFE];
	[sflag:s21] =	ssyncadd.s32 $0xFFFFFFFF  }
0xa2: {  	s24 =	simm.s32 $execute0_lowered;
	[smem:$0x3FD2] =	sst s23  }
0xa3: {  	s3 =	sshll.u32 s24, $0x1;
	_ =	strace $0x80000046;
	[dreg:$0x1] =	wrdreg $0xFFFFFFFF  }
0xa4: {  	s25 =	simm.s32 $_size_execute0_lowered;
	s1 =	sadd.s32 s1, s3;
	[dreg:$0x0] =	wrdreg $0x0  }
0xa5: {  	s3 =	sshll.u32 s25, $0x1;
	[dreg:$0x2] =	wrdreg s1  }
0xa6: {  	[dreg:$0x3] =	wrdreg s3  }
0xa7: {  	[dreg:$0x4] =	wrdreg $0xC0  }
0xa8: {  	_ =	task [dreg:s5], $0x5FFFF  }
0xa9: {  	[dreg:$0x1] =	wrdreg $0xFFFFFFFF  }
0xaa: {  	[dreg:$0x0] =	wrdreg $0x60  }
0xab: {  	[dreg:$0x2] =	wrdreg s22  }
0xac: {  	[dreg:$0x3] =	wrdreg s0  }
0xad: {  	[dreg:$0x4] =	wrdreg $0x9  }
0xae: {  	_ =	task.clear_ibuf [dreg:s5], $0x5FFFF;
	_ =	strace $0x90000046  }
0xaf: {  	s26 =	simm.s32 $0x9;
	_ =	strace $0x80000048  }
0xb0: {  	_ =	swait.ge [sflag:s26], $0x1  }
0xb1: {  	[sflag:s26] =	ssyncadd.s32 $0xFFFFFFFF  }
0xb2: {  	_ =	strace $0x90000048  }
0xb3: {  	_ =	sfence  }
0xb4: {  	s28 =	sld [smem:$0x0];
	_ =	sdelay $0x1  }
0xb5: {  	s29 =	srdreg.scid  }
0xb6: {  	s30 =	sshll.u32 s29, $0xD;
	s31 =	sshrl.u32 s29, $0x2  }
0xb7: {  	s2 =	sand.u32 $0x4000, s30;
	s1 =	sand.u32 $0x1, s29;
	s0 =	sadd.s32 s31, s28  }
0xb8: {  	s1 =	sor.u32 s2, s1;
	s0 =	sshll.u32 s0, $0x11  }
0xb9: {  	s0 =	sor.u32 s0, s1  }
0xba: {  	s0 =	sadd.s32 $0x8F2B, s0  }
0xbb: {  	[sflag:s0] =	ssyncadd.remote.s32 $0x1  }
0xbc: {  	_ =	sfence.sel $0xFFFF  }
0xbd: {  	[dreg:$0x0] =	wrdreg $0xFFFFFFFF;
	(pc) =	sbr.abs _section_cstart, $3  }
0xbe: {  	[dreg:$0x1] =	wrdreg $0xFFFFFFFF  }
0xbf: {  	_ =	task.clear_ibuf [dreg:s5], $0x2FFFF;
	_ =	strace $0x9FFFFFFF  }
0xc0: {  	(tm) =	ssettm $0x7FFFFFFF  }
0xc1: {  	_ =	shalt  }
tec
execute0_lowered:
.L_overlay_start_1:
0x0: {  	(tag) =	ssettag $0x1  }
0x1: {  	s0 =	stileid.u32  }
0x2: {  	s1 =	smin.u32 s0, $0x9  }
0x3: {  	s1 =	sadd.s32 s0, s1  }
0x4: {  	s2 =	simm.s32 $0xA0;
	p0 =	slt.u32 s0, $0x9;
	s1 =	smul.u32 $0x50, s1  }
0x5: {  	s2 =	simm.s32 @!p0 $0x50  }
0x6: {  	s2 =	sadd.s32 s2, s1  }
0x7: {  	s3 =	smin.u32 s2, $0x7D0  }
0x8: {  	s7 =	ssub.s32 s3, s1  }
0x9: {  	p0 =	sgt.s32 s7, $0x0  }
0xa: {  	s7 =	simm.s32 @!p0 $0x0  }
0xb: {  	s4 =	rddreg [dreg:$0x0];
	s31 =	smul.u32 $0xCCCD, s7  }
0xc: {  	s5 =	rddreg [dreg:$0x1]  }
0xd: {  	s6 =	simm.s32 $0x1;
	s10 =	simm.s32 $0x3;
	s8 =	sshrl.u32 s31, $0x16  }
0xe: {  	s13 =	simm.s32 $0x0;
	s12 =	simm.s32 $0x0;
	s9 =	smul.u32 $0x50, s8  }
.Ltmp0:
0xf: {  	s11 =	smov.u32 s1;
	s2 =	rddreg [dreg:$0x2];
	(pc) =	sbr.rel .LBB2_1-.Ltmp0, $4  }
0x10: {  	_ =	strace $0x80000047;
	p0 =	sne.s32 s7, s9;
	s9 =	simm.s32 $0x1  }
0x11: {  	[sflag:s6] =	ssyncpa.u1 $0x0;
	s7 =	simm.s32 $0x2;
	s9 =	simm.s32 @!p0 $0x0  }
0x12: {  	[sflag:s7] =	ssyncpa.u1 $0x0;
	p0 =	por $0x0, $0x0;
	s8 =	sadd.s32 s8, s9  }
0x13: {  	vm0 =	vmmov $0xff;
	vm1 =	vcmask $0x3F20;
	s9 =	sadd.s32 $0xAFE00, s4;
	[sflag:s10] =	ssyncpa.u1 $0x0;
	s10 =	sadd.s32 $0x1, s8  }
.LBB2_6:
0x14: {  	[hbm:s17] =	stream.linear.scatter [tilespmem:s14], [sflag:$0x3], $0x400, $0x38;
	[tilespmem:$0x50A0] =	vst v63  }
.LBB2_7:
0x15: {  	s13 =	sadd.s32 $0x50, s11  }
0x16: {  	s15 =	smov.u32 s1;
	p2 =	slt.s32 s13, s3  }
0x17: {  	s15 =	smov.u32 @p2 s13;
	p2 =	sne.s32 s12, s10  }
.Ltmp1:
0x18: {  	p1 =	slt.u32 s12, $0x2;
	(pc) =	sbr.rel @!p2 .LBB2_8-.Ltmp1, $4  }
0x19: {  	s14 =	simm.s32 @!p1 $0x3  }
0x1a: {  	s16 =	sadd.s32 $0x1, s12;
	_ =	swait.ge @!p1 [sflag:s14], $0x2800  }
0x1b: {  	p0 =	por !p0, !p0;
	s13 =	smov.u32 s11;
	[sflag:s14] =	ssyncset.done @!p1 $0x0  }
0x1c: {  	s12 =	smov.u32 s16;
	s11 =	smov.u32 s15;
	[sflag:s14] =	ssyncadd.s32 @!p1 $0xFFFFD800  }
.LBB2_1:
0x1d: {  	p1 =	sge.u32 s12, s8  }
0x1e: {  	s14 =	sxor.u32 @!p1 $0xFFFFFFFF, s12  }
0x1f: {  	s14 =	sand.u32 @!p1 $0x1, s14  }
0x20: {  	s14 =	smul.u32 @!p1 $0x140, s14  }
0x21: {  	s31 =	sadd.s32 $0xFFFFFFFF, s12;
	s15 =	sshrl.u32 @!p1 s11, $0x3  }
0x22: {  	s16 =	sand.u32 @!p1 $0x7, s11;
	s15 =	sadd.s32 @!p1 s5, s15;
	s14 =	sshrl.u32 @!p1 s14, $0x2  }
0x23: {  	[tilespmem:s14], [sflag:$0x2] =	stream.linear.gather @!p1 [hbm4b:s15+s16], $0x50, $0x38;
	[tilespmem:$0x50A0] =	vst v63  }
0x24: {  	p1 =	sge.u32 s31, s8  }
.Ltmp2:
0x25: {  	_ = 	snop;
	(pc) =	sbr.rel @p1 .LBB2_7-.Ltmp2, $1  }
0x26: {  	_ =	sdelay $0x3  }
0x27: {  	s14 =	simm.s32 $0x1  }
0x28: {  	s14 =	simm.s32 @!p0 $0x0  }
0x29: {  	s15 =	smul.u32 $0x140, s14  }
0x2a: {  	_ =	swait.ge [sflag:s7], $0x50  }
0x2b: {  	[sflag:s7] =	ssyncset.done $0x0;
	s16 =	sshrl.u32 s15, $0x2  }
0x2c: {  	[sflag:s7] =	ssyncadd.s32 $0xFFFFFFB0;
	s15 =	sadd.s32 $0x0, s16  }
0x2d: {  	v0 =	vld.msk [tilespmem:s15+$0x0 ss:$0x1], $0xffff;
	_ =	sdelay $0x4  }
0x2e: {  	vm2 =	veq.s32 v0, $0x80000000;
	v1 =	vand.u32 $0x1, v0;
	v0 =	vshll.u32 v0, $0x7  }
0x2f: {  	v1 =	vsel vm2, $0xFFFFFFFF, v1;
	v0 =	vand.u32 $0x7FFF00, v0  }
0x30: {  	v0 =	vsel vm2, $0xFFFFFF00, v0;
	v2 =	vand.u32 $0xFFFFFF00, v1;
	v1 =	vshll.u32 v1, $0x7  }
0x31: {  	v0 =	vadd.s32 v2, v0;
	v1 =	vand.u32 $0x80, v1  }
0x32: {  	v0 =	vor.u32 v1, v0  }
0x33: {  	v0 =	vshrl.u32 v0, $0x3  }
0x34: {  	s14 =	smul.u32 $0xA000, s14;
	_ =	sdelay $0x1  }
0x35: {  	s14 =	sshrl.u32 s14, $0x2  }
0x36: {  	s14 =	sor.u32 $0xA0, s14  }
0x37: {  	[tilespmem:s14], [sflag:$0x1] =	stream.indirect_vreg.gather [hbm:s4], $0x80, v0, vm0, $0x38;
	[tilespmem:$0x50A0] =	vst v63  }
0x38: {  	s17 =	sadd.s32 $0x10, s16;
	s15 =	sadd.s32 $0x400, s14  }
0x39: {  	[tilespmem:s15], [sflag:$0x1] =	stream.indirect_vreg.gather [hbm:s4], $0x80, v0, vm1, $0x38;
	[tilespmem:$0x50A0] =	vst v63  }
0x3a: {  	s18 =	simm.s32 $0x80;
	v0 =	vld.msk [tilespmem:s17+$0x0 ss:$0x1], $0xffff;
	s17 =	smov.u32 s14  }
.LBB2_3:
0x3b: {  	p1 =	sne.s32 s18, $0x100;
	_ =	sdelay $0x4  }
0x3c: {  	vm2 =	veq.s32 v0, $0x80000000;
	v1 =	vand.u32 $0x1, v0;
	v0 =	vshll.u32 v0, $0x7  }
0x3d: {  	v1 =	vsel vm2, $0xFFFFFFFF, v1;
	v0 =	vand.u32 $0x7FFF00, v0  }
0x3e: {  	v0 =	vsel vm2, $0xFFFFFF00, v0;
	v2 =	vand.u32 $0xFFFFFF00, v1;
	v1 =	vshll.u32 v1, $0x7  }
0x3f: {  	v0 =	vadd.s32 v2, v0;
	v1 =	vand.u32 $0x80, v1  }
0x40: {  	v0 =	vor.u32 v1, v0  }
0x41: {  	v0 =	vshrl.u32 v0, $0x3;
	_ =	sdelay $0x3  }
.Ltmp3:
0x42: {  	s19 =	sshra.s32 s18, $0x2;
	s17 =	sadd.s32 $0x800, s17;
	(pc) =	sbr.rel @p1 .LBB2_3-.Ltmp3, $4  }
0x43: {  	[tilespmem:s17], [sflag:$0x1] =	stream.indirect_vreg.gather [hbm:s4], $0x80, v0, vm0, $0x38;
	[tilespmem:$0x50A0] =	vst v63  }
0x44: {  	s19 =	sadd.s32 s19, s16;
	s20 =	sadd.s32 $0x400, s17  }
0x45: {  	[tilespmem:s20], [sflag:$0x1] =	stream.indirect_vreg.gather [hbm:s4], $0x80, v0, vm1, $0x38;
	[tilespmem:$0x50A0] =	vst v63  }
0x46: {  	s18 =	sadd.s32 $0x40, s18;
	v0 =	vld.msk [tilespmem:s19+$0x0 ss:$0x1], $0xffff  }
0x47: {  	_ =	sdelay $0x3  }
0x48: {  	vm2 =	veq.s32 v0, $0x80000000;
	v1 =	vand.u32 $0x1, v0;
	v63 =	vshll.u32 v0, $0x7  }
0x49: {  	v1 =	vsel vm2, $0xFFFFFFFF, v1;
	v0 =	vand.u32 $0x7FFF00, v63  }
0x4a: {  	v0 =	vsel vm2, $0xFFFFFF00, v0;
	v2 =	vand.u32 $0xFFFFFF00, v1;
	v1 =	vshll.u32 v1, $0x7  }
0x4b: {  	v0 =	vadd.s32 v2, v0;
	v1 =	vand.u32 $0x80, v1  }
0x4c: {  	v0 =	vor.u32 v1, v0  }
0x4d: {  	v0 =	vshrl.u32 v0, $0x3;
	_ =	sdelay $0x3  }
0x4e: {  	s16 =	sadd.s32 $0x800, s17  }
0x4f: {  	[tilespmem:s16], [sflag:$0x1] =	stream.indirect_vreg.gather [hbm:s4], $0x80, v0, vm0, $0x38;
	[tilespmem:$0x50A0] =	vst v63  }
0x50: {  	s16 =	sadd.s32 $0x400, s16  }
0x51: {  	[tilespmem:s16], [sflag:$0x1] =	stream.indirect_vreg.gather [hbm:s4], $0x80, v0, vm1, $0x38;
	[tilespmem:$0x50A0] =	vst v63  }
0x52: {  	s13 =	sshll.u32 s13, $0x4;
	_ =	swait.ge [sflag:s6], $0x2800  }
0x53: {  	s13 =	sadd.s32 s13, s9;
	[sflag:s6] =	ssyncset.done $0x0  }
0x54: {  	s17 =	sadd.s32 $0x0, s13;
	s16 =	simm.s32 $0x80;
	[sflag:s6] =	ssyncadd.s32 $0xFFFFD800  }
.LBB2_5:
0x55: {  	[hbm:s17] =	stream.linear.scatter [tilespmem:s14], [sflag:$0x3], $0x400, $0x38;
	[tilespmem:$0x50A0] =	vst v63  }
0x56: {  	s17 =	smov.u32 s16;
	s14 =	smov.u32 s15;
	p1 =	sne.s32 s16, $0x480  }
.Ltmp4:
0x57: {  	s16 =	sadd.s32 $0x80, s16;
	(pc) =	sbr.rel @p1 .LBB2_5-.Ltmp4, $2  }
0x58: {  	_ =	sdelay $0x2  }
0x59: {  	s15 =	sadd.s32 $0x400, s15;
	s17 =	sadd.s32 s17, s13  }
.Ltmp5:
0x5a: {  	_ = 	snop;
	(pc) =	sbr.rel .LBB2_6-.Ltmp5, $1  }
0x5b: {  	_ =	sdelay $0x3  }
.LBB2_8:
0x5c: {  	_ =	sfence.sel $0x180000  }
0x5d: {  	s1 =	simm.s32 $0x2;
	[bflag:$0x0] =	sbarrier.arrive $0xFFFF  }
0x5e: {  	s30 =	simm.s32 $0x3;
	[sflag:s1] =	ssyncpa.u1 $0x1  }
0x5f: {  	s31 =	simm.s32 $0x1;
	[sflag:s30] =	ssyncpa.u1 $0x1  }
0x60: {  	[sflag:s31] =	ssyncpa.u1 $0x1  }
0x61: {  	p0 =	sne.s32 s0, $0x0;
	_ =	strace $0x90000047  }
0x62: {  	s0 =	sadd.s32 @!p0 $0x100000, s2;
	[bflag:$0x2] =	sbarrier.arrive $0xFFFF  }
0x63: {  	[sflag:s0] =	ssyncadd.tile.s32 @!p0 $0x1;
	_ =	shalt  }
.Lfunc_end2:
_tile_overlayer_lowered:
.L_overlay_start_2:
0x64: {  	(tag) =	ssettag $0x2  }
0x65: {  	s0 =	rddreg [dreg:$0x0];
	s2 =	stileid.u32  }
0x66: {  	s1 =	rddreg [dreg:$0x1];
	p0 =	sne.s32 s2, $0x0  }
0x67: {  	s3 =	rddreg [dreg:$0x2];
	[bflag:$0x3] =	sbarrier.arrive $0xFFFF;
	s2 =	simm.s32 @!p0 $0x1C01  }
0x68: {  	[timem:s3], [sflag:s2] =	dma.local @!p0 [hbm:s0], s1  }
0x69: {  	s0 =	simm.s32 @!p0 $0x1  }
0x6a: {  	_ =	swait.ge @!p0 [sflag:s0], s1  }
0x6b: {  	s1 =	ssub.s32 @!p0 $0x0, s1;
	[sflag:s0] =	ssyncset.done @!p0 $0x0  }
0x6c: {  	[sflag:s0] =	ssyncadd.s32 @!p0 s1  }
0x6d: {  	[bflag:$0x3] =	sbarrier.arrive $0xFFFF  }
0x6e: {  	_ =	shalt  }

</sc_bundles>
